<compile_context>
chip_gen: v7x
topology: tpu7x:2x2x1
jax: 0.10.2.dev20260603
libtpu: 0.0.44.dev20260713+nightly
codegen_flags: <defaults>
</compile_context>

<pallas_src>
import functools

import jax
import jax.numpy as jnp
from jax import lax
from jax.experimental import pallas as pl
from jax.experimental.pallas import tpu as pltpu
from jax.experimental.pallas import tpu_sc as plsc

_N, _C, _H, _W = 8, 96, 224, 224
_CB = 24
_R = _CB * _H
_HW = _H * _W
_SC_C = 24
_PAIRS = _N * _SC_C
_PER_W = _PAIRS // 32




@functools.partial(
    pl.kernel,
    mesh=plsc.VectorSubcoreMesh(core_axis_name="c", subcore_axis_name="s"),
    out_type=jax.ShapeDtypeStruct((_N, _SC_C, _HW), jnp.float32),
    scratch_types=[pltpu.VMEM((_HW,), jnp.float32)],
)
def _sc_copy(act_hbm, out_hbm, buf):
    wid = lax.axis_index("s") * 2 + lax.axis_index("c")

    def body(j, carry):
        pair = wid * _PER_W + j
        n = pair // _SC_C
        c = pair % _SC_C
        pltpu.sync_copy(act_hbm.at[n, c], buf)
        pltpu.sync_copy(buf, out_hbm.at[n, c])
        return carry

    lax.fori_loop(0, _PER_W, body, 0)




def _block_mat(b):
    i = lax.broadcasted_iota(jnp.int32, (_W, _W), 0)
    j = lax.broadcasted_iota(jnp.int32, (_W, _W), 1)
    return (i // b == j // b).astype(jnp.float32)


def _roll0(x, k):
    n = x.shape[0]
    return pltpu.roll(x, k % n, 0)


def _row_block_sum(xf, b, mh):
    t = xf + jnp.where(mh & 1 == 0, _roll0(xf, -1), _roll0(xf, 1))
    if b == 4:
        t = t + jnp.where(mh < 2, _roll0(t, -2), _roll0(t, 2))
    return t


def _pooled(x_ref, o_ref, b):
    xf = x_ref[...].reshape(_R, _W)
    mh = lax.broadcasted_iota(jnp.int32, (_R, 1), 0) & (b - 1)
    t = _row_block_sum(xf, b, mh)
    hi = t.astype(jnp.bfloat16)
    lo = (t - hi.astype(jnp.float32)).astype(jnp.bfloat16)
    a = _block_mat(b).astype(jnp.bfloat16)
    u = (jnp.dot(hi, a, preferred_element_type=jnp.float32)
         + jnp.dot(lo, a, preferred_element_type=jnp.float32))
    o_ref[...] = jnp.where(u > 0, xf, 0.0).reshape(_CB, _H, _W)


def _body(x_ref, o_ref):
    g = pl.program_id(1)

    @pl.when(g == 0)
    def _():
        o_ref[...] = jnp.maximum(x_ref[...], 0.0)

    @pl.when(g == 1)
    def _():
        _pooled(x_ref, o_ref, 2)

    @pl.when(g == 2)
    def _():
        _pooled(x_ref, o_ref, 4)


def _tc_call(activation):
    return pl.pallas_call(
        _body,
        grid=(_N, 3),
        in_specs=[pl.BlockSpec((None, _CB, _H, _W),
                               lambda n, c: (n, c + 1, 0, 0))],
        out_specs=pl.BlockSpec((None, _CB, _H, _W),
                               lambda n, c: (n, c, 0, 0)),
        out_shape=jax.ShapeDtypeStruct((_N, _C - _SC_C, _H, _W),
                                       jnp.float32),
        compiler_params=pltpu.CompilerParams(
            dimension_semantics=("parallel", "parallel")),
    )(activation)


def kernel(activation):
    sc_out = _sc_copy(activation.reshape(_N, _C, _HW))
    tc_out = _tc_call(activation)
    return jnp.concatenate(
        [sc_out.reshape(_N, _SC_C, _H, _W), tc_out], axis=1)

# --- scband reference (transcript-rebuilt; emitter-appended) ---
"""Pipeline reference for scband-secure-optimized-block-re-lu-21122649161900 (READ-ONLY COPY).

The authoritative reference and input builder live on the scoring server;
editing this copy changes nothing except your own understanding.
"""

import jax, jax.numpy as jnp
import numpy as np

BLOCK_SIZES = np.array([[0, 1]] * 24 + [[1, 1]] * 24 + [[2, 2]] * 24 + [[4, 4]] * 24)


def _pad_amounts(hw, bs):
    pr = (bs[0] - hw[0] % bs[0]) % bs[0]
    qr = (bs[1] - hw[1] % bs[1]) % bs[1]
    return pr, qr


def _block_relu(activation, block_sizes):
    # Identity short-circuit as in the torch module
    if np.all(block_sizes == np.array([0, 1])):
        return activation
    active = [bs for bs in np.unique(block_sizes, axis=0) if 0 not in bs]
    out = activation
    H, W = activation.shape[2], activation.shape[3]
    for bs in active:
        chans = np.where(np.all(block_sizes == bs, axis=1))[0]
        cur = activation[:, chans]
        pr, qr = _pad_amounts((H, W), bs)
        cur_p = jnp.pad(cur, ((0, 0), (0, 0), (0, pr), (0, qr)), mode='constant')
        N, C, Hp, Wp = cur_p.shape
        # SpaceToDepth
        r = cur_p.reshape(N, C, Hp // bs[0], bs[0], Wp // bs[1], bs[1])
        r = jnp.transpose(r, (0, 1, 2, 4, 3, 5))
        r = r.reshape(N, C, Hp // bs[0], Wp // bs[1], bs[0] * bs[1])
        # block mean -> DReLU sign -> broadcast back over the block
        mean = jnp.sum(r, axis=-1) / r.shape[-1]
        sign = (mean > 0).astype(activation.dtype)
        sign_up = jnp.repeat(jnp.repeat(sign, bs[0], axis=2), bs[1], axis=3)
        sign_up = sign_up[:, :, :H, :W]  # unpad
        out = out.at[:, chans].set(activation[:, chans] * sign_up)
    return out


def setup_inputs(seed: int = 0) -> dict:
    key = jax.random.key(seed)
    activation = jax.random.normal(key, (8, 96, 224, 224), dtype=jnp.float32)
    return {"activation": activation}


def reference(activation):
    return _block_relu(activation, BLOCK_SIZES)

if __name__ == "__main__":
    import jax
    _d = setup_inputs()
    print(jax.jit(kernel)(*tuple(_d.values())))

</pallas_src>

<mosaic_0001>
#map = affine_map<(d0, d1) -> (0, 0, 0)>
module attributes {stable_mosaic.version = 14 : i64} {
  func.func @_sc_copy(%arg0: i32, %arg1: i32, %arg2: memref<8x96x50176xf32, #tpu.memory_space<hbm>>, %arg3: memref<8x24x50176xf32, #tpu.memory_space<hbm>>, %arg4: memref<50176xf32, #tpu.memory_space<vmem>>) attributes {dimension_semantics = [#tpu.dimension_semantics<core_parallel>, #tpu.dimension_semantics<subcore_parallel>], iteration_bounds = array<i64: 2, 16>, scalar_prefetch = 0 : i64, scratch_operands = 1 : i64, tpu.core_type = #tpu.core_type<sc_vector_subcore>, window_params = [{transform_indices = #map}, {transform_indices = #map}]} {
    %mul3A = arith.constant 2 : i32
    %mul3A_0 = arith.muli %arg1, %mul3A : i32
    %add3A = arith.addi %mul3A_0, %arg0 : i32
    %scan3A = arith.constant 0 : i32
    %scan3A_1 = arith.constant 0 : i32
    %scan3A_2 = arith.constant 6 : i32
    %scan3A_3 = arith.addi %scan3A_1, %scan3A_2 : i32
    %scan3A_4 = arith.constant 1 : i32
    scf.for %scan3A_6 = %scan3A_1 to %scan3A_3 step %scan3A_4  : i32 {
      %mul3A_7 = arith.constant 6 : i32
      %mul3A_8 = arith.muli %add3A, %mul3A_7 : i32
      %add3A_9 = arith.addi %mul3A_8, %scan3A_6 : i32
      %jit3A = arith.constant 24 : i32
      %div3A = arith.divsi %add3A_9, %jit3A : i32
      %sign3A = arith.constant 0 : i32
      %sign3A_10 = arith.cmpi sgt, %add3A_9, %sign3A : i32
      %sign3A_11 = arith.extui %sign3A_10 : i1 to i32
      %sign3A_12 = arith.constant 0 : i32
      %sign3A_13 = arith.cmpi slt, %add3A_9, %sign3A_12 : i32
      %sign3A_14 = arith.extui %sign3A_13 : i1 to i32
      %sign3A_15 = arith.subi %sign3A_11, %sign3A_14 : i32
      %sign3A_16 = arith.constant 0 : i32
      %sign3A_17 = arith.cmpi sgt, %jit3A, %sign3A_16 : i32
      %sign3A_18 = arith.extui %sign3A_17 : i1 to i32
      %sign3A_19 = arith.constant 0 : i32
      %sign3A_20 = arith.cmpi slt, %jit3A, %sign3A_19 : i32
      %sign3A_21 = arith.extui %sign3A_20 : i1 to i32
      %sign3A_22 = arith.subi %sign3A_18, %sign3A_21 : i32
      %ne3A = arith.cmpi ne, %sign3A_15, %sign3A_22 : i32
      %rem3A = arith.remsi %add3A_9, %jit3A : i32
      %ne3A_23 = arith.constant 0 : i32
      %ne3A_24 = arith.cmpi ne, %rem3A, %ne3A_23 : i32
      %and3A = arith.andi %ne3A, %ne3A_24 : i1
      %sub3A = arith.constant 1 : i32
      %sub3A_25 = arith.subi %div3A, %sub3A : i32
      %select_n3A = arith.select %and3A, %sub3A_25, %div3A : i32
      %jit3A_26 = arith.constant 24 : i32
      %eq3A = arith.constant 0 : i32
      %eq3A_27 = arith.cmpi eq, %jit3A_26, %eq3A : i32
      %jit3A_28 = arith.constant 1 : i32
      %select_n3A_29 = arith.select %eq3A_27, %jit3A_28, %jit3A_26 : i32
      %rem3A_30 = arith.remsi %add3A_9, %select_n3A_29 : i32
      %ne3A_31 = arith.constant 0 : i32
      %ne3A_32 = arith.cmpi ne, %rem3A_30, %ne3A_31 : i32
      %lt3A = arith.constant 0 : i32
      %lt3A_33 = arith.cmpi slt, %rem3A_30, %lt3A : i32
      %lt3A_34 = arith.constant 0 : i32
      %lt3A_35 = arith.cmpi slt, %select_n3A_29, %lt3A_34 : i32
      %ne3A_36 = arith.xori %lt3A_33, %lt3A_35 : i1
      %and3A_37 = arith.andi %ne3A_36, %ne3A_32 : i1
      %add3A_38 = arith.addi %rem3A_30, %select_n3A_29 : i32
      %select_n3A_39 = arith.select %and3A_37, %add3A_38, %rem3A_30 : i32
      "tpu.region"() ({
        %run_scoped3A = tpu.sem_alloc : memref<!tpu.dma_semaphore, #tpu.memory_space<semaphore_mem>>
        %dma_start3A = arith.constant 0 : i32
        %dma_start3A_40 = tpu.memref_slice %arg2[%select_n3A, %select_n3A_39, %dma_start3A] : memref<8x96x50176xf32, #tpu.memory_space<hbm>> -> memref<1x1x50176xf32, #tpu.memory_space<hbm>>
        %dma_start3A_41 = tpu.memref_squeeze %dma_start3A_40 : memref<1x1x50176xf32, #tpu.memory_space<hbm>> -> memref<50176xf32, #tpu.memory_space<hbm>>
        %dma_start3A_42 = arith.constant 0 : i32
        %dma_start3A_43 = tpu.memref_slice %arg2[%select_n3A, %select_n3A_39, %dma_start3A_42] : memref<8x96x50176xf32, #tpu.memory_space<hbm>> -> memref<1x1x50176xf32, #tpu.memory_space<hbm>>
        %dma_start3A_44 = tpu.memref_squeeze %dma_start3A_43 : memref<1x1x50176xf32, #tpu.memory_space<hbm>> -> memref<50176xf32, #tpu.memory_space<hbm>>
        tpu.enqueue_dma source(%dma_start3A_44 : memref<50176xf32, #tpu.memory_space<hbm>>) target(%arg4 : memref<50176xf32, #tpu.memory_space<vmem>>) target_semaphore(%run_scoped3A : memref<!tpu.dma_semaphore, #tpu.memory_space<semaphore_mem>>)
        %dma_wait3A = arith.constant 0 : i32
        %dma_wait3A_45 = tpu.memref_slice %arg2[%select_n3A, %select_n3A_39, %dma_wait3A] : memref<8x96x50176xf32, #tpu.memory_space<hbm>> -> memref<1x1x50176xf32, #tpu.memory_space<hbm>>
        %dma_wait3A_46 = tpu.memref_squeeze %dma_wait3A_45 : memref<1x1x50176xf32, #tpu.memory_space<hbm>> -> memref<50176xf32, #tpu.memory_space<hbm>>
        %dma_wait3A_47 = arith.constant 0 : i32
        %dma_wait3A_48 = tpu.memref_slice %arg2[%select_n3A, %select_n3A_39, %dma_wait3A_47] : memref<8x96x50176xf32, #tpu.memory_space<hbm>> -> memref<1x1x50176xf32, #tpu.memory_space<hbm>>
        %dma_wait3A_49 = tpu.memref_squeeze %dma_wait3A_48 : memref<1x1x50176xf32, #tpu.memory_space<hbm>> -> memref<50176xf32, #tpu.memory_space<hbm>>
        tpu.wait_dma2 semaphore(%run_scoped3A : memref<!tpu.dma_semaphore, #tpu.memory_space<semaphore_mem>>) src(%dma_wait3A_49 : memref<50176xf32, #tpu.memory_space<hbm>>) dst(%arg4 : memref<50176xf32, #tpu.memory_space<vmem>>)
        tpu.yield
      }) : () -> ()
      "tpu.region"() ({
        %run_scoped3A = tpu.sem_alloc : memref<!tpu.dma_semaphore, #tpu.memory_space<semaphore_mem>>
        %dma_start3A = arith.constant 0 : i32
        %dma_start3A_40 = tpu.memref_slice %arg3[%select_n3A, %select_n3A_39, %dma_start3A] : memref<8x24x50176xf32, #tpu.memory_space<hbm>> -> memref<1x1x50176xf32, #tpu.memory_space<hbm>>
        %dma_start3A_41 = tpu.memref_squeeze %dma_start3A_40 : memref<1x1x50176xf32, #tpu.memory_space<hbm>> -> memref<50176xf32, #tpu.memory_space<hbm>>
        %dma_start3A_42 = arith.constant 0 : i32
        %dma_start3A_43 = tpu.memref_slice %arg3[%select_n3A, %select_n3A_39, %dma_start3A_42] : memref<8x24x50176xf32, #tpu.memory_space<hbm>> -> memref<1x1x50176xf32, #tpu.memory_space<hbm>>
        %dma_start3A_44 = tpu.memref_squeeze %dma_start3A_43 : memref<1x1x50176xf32, #tpu.memory_space<hbm>> -> memref<50176xf32, #tpu.memory_space<hbm>>
        tpu.enqueue_dma source(%arg4 : memref<50176xf32, #tpu.memory_space<vmem>>) target(%dma_start3A_44 : memref<50176xf32, #tpu.memory_space<hbm>>) target_semaphore(%run_scoped3A : memref<!tpu.dma_semaphore, #tpu.memory_space<semaphore_mem>>)
        %dma_wait3A = arith.constant 0 : i32
        %dma_wait3A_45 = tpu.memref_slice %arg3[%select_n3A, %select_n3A_39, %dma_wait3A] : memref<8x24x50176xf32, #tpu.memory_space<hbm>> -> memref<1x1x50176xf32, #tpu.memory_space<hbm>>
        %dma_wait3A_46 = tpu.memref_squeeze %dma_wait3A_45 : memref<1x1x50176xf32, #tpu.memory_space<hbm>> -> memref<50176xf32, #tpu.memory_space<hbm>>
        %dma_wait3A_47 = arith.constant 0 : i32
        %dma_wait3A_48 = tpu.memref_slice %arg3[%select_n3A, %select_n3A_39, %dma_wait3A_47] : memref<8x24x50176xf32, #tpu.memory_space<hbm>> -> memref<1x1x50176xf32, #tpu.memory_space<hbm>>
        %dma_wait3A_49 = tpu.memref_squeeze %dma_wait3A_48 : memref<1x1x50176xf32, #tpu.memory_space<hbm>> -> memref<50176xf32, #tpu.memory_space<hbm>>
        tpu.wait_dma2 semaphore(%run_scoped3A : memref<!tpu.dma_semaphore, #tpu.memory_space<semaphore_mem>>) src(%arg4 : memref<50176xf32, #tpu.memory_space<vmem>>) dst(%dma_wait3A_49 : memref<50176xf32, #tpu.memory_space<hbm>>)
        tpu.yield
      }) : () -> ()
    }
    %scan3A_5 = arith.constant 6 : i32
    return
  }
}

module attributes {stable_mosaic.version = 14 : i64} {
  func.func @_body(%arg0: i32, %arg1: i32, %arg2: memref<1x24x224x224xf32, #tpu.memory_space<vmem>>, %arg3: memref<1x24x224x224xf32, #tpu.memory_space<vmem>>) attributes {dimension_semantics = [#tpu.dimension_semantics<parallel>, #tpu.dimension_semantics<parallel>], iteration_bounds = array<i64: 8, 3>, scalar_prefetch = 0 : i64, scratch_operands = 0 : i64, tpu.core_type = #tpu.core_type<tc>, window_params = [{transform_indices = @transform_0, window_bounds = array<i64: 1, 24, 224, 224>}, {transform_indices = @transform_1, window_bounds = array<i64: 1, 24, 224, 224>}]} {
    %eq3A = arith.constant 0 : i32
    %eq3A_0 = arith.cmpi eq, %arg1, %eq3A : i32
    %convert_element_type3A = arith.extui %eq3A_0 : i1 to i32
    %cond3A = arith.constant 0 : i32
    %cond3A_1 = arith.cmpi ne, %convert_element_type3A, %cond3A : i32
    scf.if %cond3A_1 {
      %get3A = arith.constant 0 : index
      %get3A_12 = arith.constant 0 : index
      %get3A_13 = arith.constant 0 : index
      %get3A_14 = arith.constant 0 : index
      %get3A_15 = vector.load %arg2[%get3A, %get3A_12, %get3A_13, %get3A_14] : memref<1x24x224x224xf32, #tpu.memory_space<vmem>>, vector<1x24x224x224xf32>
      %get3A_16 = vector.shape_cast %get3A_15 : vector<1x24x224x224xf32> to vector<24x224x224xf32>
      %max3A = arith.constant 0.000000e+00 : f32
      %max3A_17 = vector.broadcast %max3A : f32 to vector<24x224x224xf32>
      %max3A_18 = arith.maximumf %get3A_16, %max3A_17 : vector<24x224x224xf32>
      %swap3A = arith.constant 0 : index
      %swap3A_19 = arith.constant 0 : index
      %swap3A_20 = arith.constant 0 : index
      %swap3A_21 = arith.constant 0 : index
      %swap3A_22 = vector.load %arg3[%swap3A, %swap3A_19, %swap3A_20, %swap3A_21] : memref<1x24x224x224xf32, #tpu.memory_space<vmem>>, vector<1x24x224x224xf32>
      %swap3A_23 = vector.shape_cast %swap3A_22 : vector<1x24x224x224xf32> to vector<24x224x224xf32>
      %swap3A_24 = vector.shape_cast %max3A_18 : vector<24x224x224xf32> to vector<1x24x224x224xf32>
      tpu.vector_store %arg3[%swap3A, %swap3A_19, %swap3A_20, %swap3A_21], %swap3A_24 {strides = array<i32>} : memref<1x24x224x224xf32, #tpu.memory_space<vmem>>, vector<1x24x224x224xf32>,
    } else {
    }
    %eq3A_2 = arith.constant 1 : i32
    %eq3A_3 = arith.cmpi eq, %arg1, %eq3A_2 : i32
    %convert_element_type3A_4 = arith.extui %eq3A_3 : i1 to i32
    %cond3A_5 = arith.constant 0 : i32
    %cond3A_6 = arith.cmpi ne, %convert_element_type3A_4, %cond3A_5 : i32
    scf.if %cond3A_6 {
      %get3A = arith.constant 0 : index
      %get3A_12 = arith.constant 0 : index
      %get3A_13 = arith.constant 0 : index
      %get3A_14 = arith.constant 0 : index
      %get3A_15 = vector.load %arg2[%get3A, %get3A_12, %get3A_13, %get3A_14] : memref<1x24x224x224xf32, #tpu.memory_space<vmem>>, vector<1x24x224x224xf32>
      %get3A_16 = vector.shape_cast %get3A_15 : vector<1x24x224x224xf32> to vector<24x224x224xf32>
      %reshape3A = vector.shape_cast %get3A_16 : vector<24x224x224xf32> to vector<5376x224xf32>
      %iota3A = tpu.iota {dimensions = array<i32: 0>} : vector<5376x1xi32>
      %and3A = arith.constant 1 : i32
      %and3A_17 = vector.broadcast %and3A : i32 to vector<5376x1xi32>
      %and3A_18 = arith.andi %iota3A, %and3A_17 : vector<5376x1xi32>
      %and3A_19 = arith.constant 1 : i32
      %and3A_20 = vector.broadcast %and3A_19 : i32 to vector<5376x1xi32>
      %and3A_21 = arith.andi %and3A_18, %and3A_20 : vector<5376x1xi32>
      %eq3A_22 = arith.constant 0 : i32
      %eq3A_23 = vector.broadcast %eq3A_22 : i32 to vector<5376x1xi32>
      %eq3A_24 = arith.cmpi eq, %and3A_21, %eq3A_23 : vector<5376x1xi32>
      %roll3A = arith.constant 5375 : i32
      %roll3A_25 = tpu.dynamic_rotate %reshape3A by %roll3A dim 0 : vector<5376x224xf32>, i32 -> vector<5376x224xf32>
      %roll3A_26 = arith.constant 1 : i32
      %roll3A_27 = tpu.dynamic_rotate %reshape3A by %roll3A_26 dim 0 : vector<5376x224xf32>, i32 -> vector<5376x224xf32>
      %broadcast_in_dim3A = vector.shape_cast %eq3A_24 : vector<5376x1xi1> to vector<5376x1xi1>
      %broadcast_in_dim3A_28 = vector.broadcast %broadcast_in_dim3A : vector<5376x1xi1> to vector<5376x224xi1>
      %select_n3A = arith.select %broadcast_in_dim3A_28, %roll3A_25, %roll3A_27 : vector<5376x224xi1>, vector<5376x224xf32>
      %add3A = arith.addf %reshape3A, %select_n3A : vector<5376x224xf32>
      %convert_element_type3A_29 = arith.truncf %add3A : vector<5376x224xf32> to vector<5376x224xbf16>
      %convert_element_type3A_30 = arith.extf %convert_element_type3A_29 : vector<5376x224xbf16> to vector<5376x224xf32>
      %sub3A = arith.subf %add3A, %convert_element_type3A_30 : vector<5376x224xf32>
      %convert_element_type3A_31 = arith.truncf %sub3A : vector<5376x224xf32> to vector<5376x224xbf16>
      %iota3A_32 = tpu.iota {dimensions = array<i32: 0>} : vector<224x224xi32>
      %iota3A_33 = tpu.iota {dimensions = array<i32: 1>} : vector<224x224xi32>
      %jit3A = arith.constant 2 : i32
      %div3A = vector.broadcast %jit3A : i32 to vector<224x224xi32>
      %div3A_34 = arith.divsi %iota3A_32, %div3A : vector<224x224xi32>
      %sign3A = arith.constant 0 : i32
      %sign3A_35 = vector.broadcast %sign3A : i32 to vector<224x224xi32>
      %sign3A_36 = arith.cmpi sgt, %iota3A_32, %sign3A_35 : vector<224x224xi32>
      %sign3A_37 = arith.extui %sign3A_36 : vector<224x224xi1> to vector<224x224xi32>
      %sign3A_38 = arith.constant 0 : i32
      %sign3A_39 = vector.broadcast %sign3A_38 : i32 to vector<224x224xi32>
      %sign3A_40 = arith.cmpi slt, %iota3A_32, %sign3A_39 : vector<224x224xi32>
      %sign3A_41 = arith.extui %sign3A_40 : vector<224x224xi1> to vector<224x224xi32>
      %sign3A_42 = arith.subi %sign3A_37, %sign3A_41 : vector<224x224xi32>
      %sign3A_43 = arith.constant 0 : i32
      %sign3A_44 = arith.cmpi sgt, %jit3A, %sign3A_43 : i32
      %sign3A_45 = arith.extui %sign3A_44 : i1 to i32
      %sign3A_46 = arith.constant 0 : i32
      %sign3A_47 = arith.cmpi slt, %jit3A, %sign3A_46 : i32
      %sign3A_48 = arith.extui %sign3A_47 : i1 to i32
      %sign3A_49 = arith.subi %sign3A_45, %sign3A_48 : i32
      %ne3A = vector.broadcast %sign3A_49 : i32 to vector<224x224xi32>
      %ne3A_50 = arith.cmpi ne, %sign3A_42, %ne3A : vector<224x224xi32>
      %rem3A = vector.broadcast %jit3A : i32 to vector<224x224xi32>
      %rem3A_51 = arith.remsi %iota3A_32, %rem3A : vector<224x224xi32>
      %ne3A_52 = arith.constant 0 : i32
      %ne3A_53 = vector.broadcast %ne3A_52 : i32 to vector<224x224xi32>
      %ne3A_54 = arith.cmpi ne, %rem3A_51, %ne3A_53 : vector<224x224xi32>
      %and3A_55 = arith.andi %ne3A_50, %ne3A_54 : vector<224x224xi1>
      %sub3A_56 = arith.constant 1 : i32
      %sub3A_57 = vector.broadcast %sub3A_56 : i32 to vector<224x224xi32>
      %sub3A_58 = arith.subi %div3A_34, %sub3A_57 : vector<224x224xi32>
      %select_n3A_59 = arith.select %and3A_55, %sub3A_58, %div3A_34 : vector<224x224xi1>, vector<224x224xi32>
      %jit3A_60 = arith.constant 2 : i32
      %div3A_61 = vector.broadcast %jit3A_60 : i32 to vector<224x224xi32>
      %div3A_62 = arith.divsi %iota3A_33, %div3A_61 : vector<224x224xi32>
      %sign3A_63 = arith.constant 0 : i32
      %sign3A_64 = vector.broadcast %sign3A_63 : i32 to vector<224x224xi32>
      %sign3A_65 = arith.cmpi sgt, %iota3A_33, %sign3A_64 : vector<224x224xi32>
      %sign3A_66 = arith.extui %sign3A_65 : vector<224x224xi1> to vector<224x224xi32>
      %sign3A_67 = arith.constant 0 : i32
      %sign3A_68 = vector.broadcast %sign3A_67 : i32 to vector<224x224xi32>
      %sign3A_69 = arith.cmpi slt, %iota3A_33, %sign3A_68 : vector<224x224xi32>
      %sign3A_70 = arith.extui %sign3A_69 : vector<224x224xi1> to vector<224x224xi32>
      %sign3A_71 = arith.subi %sign3A_66, %sign3A_70 : vector<224x224xi32>
      %sign3A_72 = arith.constant 0 : i32
      %sign3A_73 = arith.cmpi sgt, %jit3A_60, %sign3A_72 : i32
      %sign3A_74 = arith.extui %sign3A_73 : i1 to i32
      %sign3A_75 = arith.constant 0 : i32
      %sign3A_76 = arith.cmpi slt, %jit3A_60, %sign3A_75 : i32
      %sign3A_77 = arith.extui %sign3A_76 : i1 to i32
      %sign3A_78 = arith.subi %sign3A_74, %sign3A_77 : i32
      %ne3A_79 = vector.broadcast %sign3A_78 : i32 to vector<224x224xi32>
      %ne3A_80 = arith.cmpi ne, %sign3A_71, %ne3A_79 : vector<224x224xi32>
      %rem3A_81 = vector.broadcast %jit3A_60 : i32 to vector<224x224xi32>
      %rem3A_82 = arith.remsi %iota3A_33, %rem3A_81 : vector<224x224xi32>
      %ne3A_83 = arith.constant 0 : i32
      %ne3A_84 = vector.broadcast %ne3A_83 : i32 to vector<224x224xi32>
      %ne3A_85 = arith.cmpi ne, %rem3A_82, %ne3A_84 : vector<224x224xi32>
      %and3A_86 = arith.andi %ne3A_80, %ne3A_85 : vector<224x224xi1>
      %sub3A_87 = arith.constant 1 : i32
      %sub3A_88 = vector.broadcast %sub3A_87 : i32 to vector<224x224xi32>
      %sub3A_89 = arith.subi %div3A_62, %sub3A_88 : vector<224x224xi32>
      %select_n3A_90 = arith.select %and3A_86, %sub3A_89, %div3A_62 : vector<224x224xi1>, vector<224x224xi32>
      %eq3A_91 = arith.cmpi eq, %select_n3A_59, %select_n3A_90 : vector<224x224xi32>
      %convert_element_type3A_92 = arith.extui %eq3A_91 : vector<224x224xi1> to vector<224x224xi32>
      %convert_element_type3A_93 = arith.sitofp %convert_element_type3A_92 : vector<224x224xi32> to vector<224x224xf32>
      %convert_element_type3A_94 = arith.truncf %convert_element_type3A_93 : vector<224x224xf32> to vector<224x224xbf16>
      %dot_general3A = arith.constant dense<0.000000e+00> : vector<5376x224xf32>
      %dot_general3A_95 = tpu.matmul %convert_element_type3A_29, %convert_element_type3A_94, %dot_general3A {dimension_numbers = #tpu.dot_dimension_numbers<[1], [0], [0], [1], [0, 0, 1, 1], [], []>, transpose_lhs_hint = false} : vector<5376x224xbf16>, vector<224x224xbf16>, vector<5376x224xf32> -> vector<5376x224xf32>
      %dot_general3A_96 = arith.constant dense<0.000000e+00> : vector<5376x224xf32>
      %dot_general3A_97 = tpu.matmul %convert_element_type3A_31, %convert_element_type3A_94, %dot_general3A_96 {dimension_numbers = #tpu.dot_dimension_numbers<[1], [0], [0], [1], [0, 0, 1, 1], [], []>, transpose_lhs_hint = false} : vector<5376x224xbf16>, vector<224x224xbf16>, vector<5376x224xf32> -> vector<5376x224xf32>
      %add3A_98 = arith.addf %dot_general3A_95, %dot_general3A_97 : vector<5376x224xf32>
      %gt3A = arith.constant 0.000000e+00 : f32
      %gt3A_99 = vector.broadcast %gt3A : f32 to vector<5376x224xf32>
      %gt3A_100 = arith.cmpf ogt, %add3A_98, %gt3A_99 : vector<5376x224xf32>
      %jit3A_101 = arith.constant 0.000000e+00 : f32
      %broadcast_in_dim3A_102 = vector.broadcast %jit3A_101 : f32 to vector<5376x224xf32>
      %select_n3A_103 = arith.select %gt3A_100, %reshape3A, %broadcast_in_dim3A_102 : vector<5376x224xi1>, vector<5376x224xf32>
      %reshape3A_104 = vector.shape_cast %select_n3A_103 : vector<5376x224xf32> to vector<24x224x224xf32>
      %swap3A = arith.constant 0 : index
      %swap3A_105 = arith.constant 0 : index
      %swap3A_106 = arith.constant 0 : index
      %swap3A_107 = arith.constant 0 : index
      %swap3A_108 = vector.load %arg3[%swap3A, %swap3A_105, %swap3A_106, %swap3A_107] : memref<1x24x224x224xf32, #tpu.memory_space<vmem>>, vector<1x24x224x224xf32>
      %swap3A_109 = vector.shape_cast %swap3A_108 : vector<1x24x224x224xf32> to vector<24x224x224xf32>
      %swap3A_110 = vector.shape_cast %reshape3A_104 : vector<24x224x224xf32> to vector<1x24x224x224xf32>
      tpu.vector_store %arg3[%swap3A, %swap3A_105, %swap3A_106, %swap3A_107], %swap3A_110 {strides = array<i32>} : memref<1x24x224x224xf32, #tpu.memory_space<vmem>>, vector<1x24x224x224xf32>,
    } else {
    }
    %eq3A_7 = arith.constant 2 : i32
    %eq3A_8 = arith.cmpi eq, %arg1, %eq3A_7 : i32
    %convert_element_type3A_9 = arith.extui %eq3A_8 : i1 to i32
    %cond3A_10 = arith.constant 0 : i32
    %cond3A_11 = arith.cmpi ne, %convert_element_type3A_9, %cond3A_10 : i32
    scf.if %cond3A_11 {
      %get3A = arith.constant 0 : index
      %get3A_12 = arith.constant 0 : index
      %get3A_13 = arith.constant 0 : index
      %get3A_14 = arith.constant 0 : index
      %get3A_15 = vector.load %arg2[%get3A, %get3A_12, %get3A_13, %get3A_14] : memref<1x24x224x224xf32, #tpu.memory_space<vmem>>, vector<1x24x224x224xf32>
      %get3A_16 = vector.shape_cast %get3A_15 : vector<1x24x224x224xf32> to vector<24x224x224xf32>
      %reshape3A = vector.shape_cast %get3A_16 : vector<24x224x224xf32> to vector<5376x224xf32>
      %iota3A = tpu.iota {dimensions = array<i32: 0>} : vector<5376x1xi32>
      %and3A = arith.constant 3 : i32
      %and3A_17 = vector.broadcast %and3A : i32 to vector<5376x1xi32>
      %and3A_18 = arith.andi %iota3A, %and3A_17 : vector<5376x1xi32>
      %and3A_19 = arith.constant 1 : i32
      %and3A_20 = vector.broadcast %and3A_19 : i32 to vector<5376x1xi32>
      %and3A_21 = arith.andi %and3A_18, %and3A_20 : vector<5376x1xi32>
      %eq3A_22 = arith.constant 0 : i32
      %eq3A_23 = vector.broadcast %eq3A_22 : i32 to vector<5376x1xi32>
      %eq3A_24 = arith.cmpi eq, %and3A_21, %eq3A_23 : vector<5376x1xi32>
      %roll3A = arith.constant 5375 : i32
      %roll3A_25 = tpu.dynamic_rotate %reshape3A by %roll3A dim 0 : vector<5376x224xf32>, i32 -> vector<5376x224xf32>
      %roll3A_26 = arith.constant 1 : i32
      %roll3A_27 = tpu.dynamic_rotate %reshape3A by %roll3A_26 dim 0 : vector<5376x224xf32>, i32 -> vector<5376x224xf32>
      %broadcast_in_dim3A = vector.shape_cast %eq3A_24 : vector<5376x1xi1> to vector<5376x1xi1>
      %broadcast_in_dim3A_28 = vector.broadcast %broadcast_in_dim3A : vector<5376x1xi1> to vector<5376x224xi1>
      %select_n3A = arith.select %broadcast_in_dim3A_28, %roll3A_25, %roll3A_27 : vector<5376x224xi1>, vector<5376x224xf32>
      %add3A = arith.addf %reshape3A, %select_n3A : vector<5376x224xf32>
      %lt3A = arith.constant 2 : i32
      %lt3A_29 = vector.broadcast %lt3A : i32 to vector<5376x1xi32>
      %lt3A_30 = arith.cmpi slt, %and3A_18, %lt3A_29 : vector<5376x1xi32>
      %roll3A_31 = arith.constant 5374 : i32
      %roll3A_32 = tpu.dynamic_rotate %add3A by %roll3A_31 dim 0 : vector<5376x224xf32>, i32 -> vector<5376x224xf32>
      %roll3A_33 = arith.constant 2 : i32
      %roll3A_34 = tpu.dynamic_rotate %add3A by %roll3A_33 dim 0 : vector<5376x224xf32>, i32 -> vector<5376x224xf32>
      %broadcast_in_dim3A_35 = vector.shape_cast %lt3A_30 : vector<5376x1xi1> to vector<5376x1xi1>
      %broadcast_in_dim3A_36 = vector.broadcast %broadcast_in_dim3A_35 : vector<5376x1xi1> to vector<5376x224xi1>
      %select_n3A_37 = arith.select %broadcast_in_dim3A_36, %roll3A_32, %roll3A_34 : vector<5376x224xi1>, vector<5376x224xf32>
      %add3A_38 = arith.addf %add3A, %select_n3A_37 : vector<5376x224xf32>
      %convert_element_type3A_39 = arith.truncf %add3A_38 : vector<5376x224xf32> to vector<5376x224xbf16>
      %convert_element_type3A_40 = arith.extf %convert_element_type3A_39 : vector<5376x224xbf16> to vector<5376x224xf32>
      %sub3A = arith.subf %add3A_38, %convert_element_type3A_40 : vector<5376x224xf32>
      %convert_element_type3A_41 = arith.truncf %sub3A : vector<5376x224xf32> to vector<5376x224xbf16>
      %iota3A_42 = tpu.iota {dimensions = array<i32: 0>} : vector<224x224xi32>
      %iota3A_43 = tpu.iota {dimensions = array<i32: 1>} : vector<224x224xi32>
      %jit3A = arith.constant 4 : i32
      %div3A = vector.broadcast %jit3A : i32 to vector<224x224xi32>
      %div3A_44 = arith.divsi %iota3A_42, %div3A : vector<224x224xi32>
      %sign3A = arith.constant 0 : i32
      %sign3A_45 = vector.broadcast %sign3A : i32 to vector<224x224xi32>
      %sign3A_46 = arith.cmpi sgt, %iota3A_42, %sign3A_45 : vector<224x224xi32>
      %sign3A_47 = arith.extui %sign3A_46 : vector<224x224xi1> to vector<224x224xi32>
      %sign3A_48 = arith.constant 0 : i32
      %sign3A_49 = vector.broadcast %sign3A_48 : i32 to vector<224x224xi32>
      %sign3A_50 = arith.cmpi slt, %iota3A_42, %sign3A_49 : vector<224x224xi32>
      %sign3A_51 = arith.extui %sign3A_50 : vector<224x224xi1> to vector<224x224xi32>
      %sign3A_52 = arith.subi %sign3A_47, %sign3A_51 : vector<224x224xi32>
      %sign3A_53 = arith.constant 0 : i32
      %sign3A_54 = arith.cmpi sgt, %jit3A, %sign3A_53 : i32
      %sign3A_55 = arith.extui %sign3A_54 : i1 to i32
      %sign3A_56 = arith.constant 0 : i32
      %sign3A_57 = arith.cmpi slt, %jit3A, %sign3A_56 : i32
      %sign3A_58 = arith.extui %sign3A_57 : i1 to i32
      %sign3A_59 = arith.subi %sign3A_55, %sign3A_58 : i32
      %ne3A = vector.broadcast %sign3A_59 : i32 to vector<224x224xi32>
      %ne3A_60 = arith.cmpi ne, %sign3A_52, %ne3A : vector<224x224xi32>
      %rem3A = vector.broadcast %jit3A : i32 to vector<224x224xi32>
      %rem3A_61 = arith.remsi %iota3A_42, %rem3A : vector<224x224xi32>
      %ne3A_62 = arith.constant 0 : i32
      %ne3A_63 = vector.broadcast %ne3A_62 : i32 to vector<224x224xi32>
      %ne3A_64 = arith.cmpi ne, %rem3A_61, %ne3A_63 : vector<224x224xi32>
      %and3A_65 = arith.andi %ne3A_60, %ne3A_64 : vector<224x224xi1>
      %sub3A_66 = arith.constant 1 : i32
      %sub3A_67 = vector.broadcast %sub3A_66 : i32 to vector<224x224xi32>
      %sub3A_68 = arith.subi %div3A_44, %sub3A_67 : vector<224x224xi32>
      %select_n3A_69 = arith.select %and3A_65, %sub3A_68, %div3A_44 : vector<224x224xi1>, vector<224x224xi32>
      %jit3A_70 = arith.constant 4 : i32
      %div3A_71 = vector.broadcast %jit3A_70 : i32 to vector<224x224xi32>
      %div3A_72 = arith.divsi %iota3A_43, %div3A_71 : vector<224x224xi32>
      %sign3A_73 = arith.constant 0 : i32
      %sign3A_74 = vector.broadcast %sign3A_73 : i32 to vector<224x224xi32>
      %sign3A_75 = arith.cmpi sgt, %iota3A_43, %sign3A_74 : vector<224x224xi32>
      %sign3A_76 = arith.extui %sign3A_75 : vector<224x224xi1> to vector<224x224xi32>
      %sign3A_77 = arith.constant 0 : i32
      %sign3A_78 = vector.broadcast %sign3A_77 : i32 to vector<224x224xi32>
      %sign3A_79 = arith.cmpi slt, %iota3A_43, %sign3A_78 : vector<224x224xi32>
      %sign3A_80 = arith.extui %sign3A_79 : vector<224x224xi1> to vector<224x224xi32>
      %sign3A_81 = arith.subi %sign3A_76, %sign3A_80 : vector<224x224xi32>
      %sign3A_82 = arith.constant 0 : i32
      %sign3A_83 = arith.cmpi sgt, %jit3A_70, %sign3A_82 : i32
      %sign3A_84 = arith.extui %sign3A_83 : i1 to i32
      %sign3A_85 = arith.constant 0 : i32
      %sign3A_86 = arith.cmpi slt, %jit3A_70, %sign3A_85 : i32
      %sign3A_87 = arith.extui %sign3A_86 : i1 to i32
      %sign3A_88 = arith.subi %sign3A_84, %sign3A_87 : i32
      %ne3A_89 = vector.broadcast %sign3A_88 : i32 to vector<224x224xi32>
      %ne3A_90 = arith.cmpi ne, %sign3A_81, %ne3A_89 : vector<224x224xi32>
      %rem3A_91 = vector.broadcast %jit3A_70 : i32 to vector<224x224xi32>
      %rem3A_92 = arith.remsi %iota3A_43, %rem3A_91 : vector<224x224xi32>
      %ne3A_93 = arith.constant 0 : i32
      %ne3A_94 = vector.broadcast %ne3A_93 : i32 to vector<224x224xi32>
      %ne3A_95 = arith.cmpi ne, %rem3A_92, %ne3A_94 : vector<224x224xi32>
      %and3A_96 = arith.andi %ne3A_90, %ne3A_95 : vector<224x224xi1>
      %sub3A_97 = arith.constant 1 : i32
      %sub3A_98 = vector.broadcast %sub3A_97 : i32 to vector<224x224xi32>
      %sub3A_99 = arith.subi %div3A_72, %sub3A_98 : vector<224x224xi32>
      %select_n3A_100 = arith.select %and3A_96, %sub3A_99, %div3A_72 : vector<224x224xi1>, vector<224x224xi32>
      %eq3A_101 = arith.cmpi eq, %select_n3A_69, %select_n3A_100 : vector<224x224xi32>
      %convert_element_type3A_102 = arith.extui %eq3A_101 : vector<224x224xi1> to vector<224x224xi32>
      %convert_element_type3A_103 = arith.sitofp %convert_element_type3A_102 : vector<224x224xi32> to vector<224x224xf32>
      %convert_element_type3A_104 = arith.truncf %convert_element_type3A_103 : vector<224x224xf32> to vector<224x224xbf16>
      %dot_general3A = arith.constant dense<0.000000e+00> : vector<5376x224xf32>
      %dot_general3A_105 = tpu.matmul %convert_element_type3A_39, %convert_element_type3A_104, %dot_general3A {dimension_numbers = #tpu.dot_dimension_numbers<[1], [0], [0], [1], [0, 0, 1, 1], [], []>, transpose_lhs_hint = false} : vector<5376x224xbf16>, vector<224x224xbf16>, vector<5376x224xf32> -> vector<5376x224xf32>
      %dot_general3A_106 = arith.constant dense<0.000000e+00> : vector<5376x224xf32>
      %dot_general3A_107 = tpu.matmul %convert_element_type3A_41, %convert_element_type3A_104, %dot_general3A_106 {dimension_numbers = #tpu.dot_dimension_numbers<[1], [0], [0], [1], [0, 0, 1, 1], [], []>, transpose_lhs_hint = false} : vector<5376x224xbf16>, vector<224x224xbf16>, vector<5376x224xf32> -> vector<5376x224xf32>
      %add3A_108 = arith.addf %dot_general3A_105, %dot_general3A_107 : vector<5376x224xf32>
      %gt3A = arith.constant 0.000000e+00 : f32
      %gt3A_109 = vector.broadcast %gt3A : f32 to vector<5376x224xf32>
      %gt3A_110 = arith.cmpf ogt, %add3A_108, %gt3A_109 : vector<5376x224xf32>
      %jit3A_111 = arith.constant 0.000000e+00 : f32
      %broadcast_in_dim3A_112 = vector.broadcast %jit3A_111 : f32 to vector<5376x224xf32>
      %select_n3A_113 = arith.select %gt3A_110, %reshape3A, %broadcast_in_dim3A_112 : vector<5376x224xi1>, vector<5376x224xf32>
      %reshape3A_114 = vector.shape_cast %select_n3A_113 : vector<5376x224xf32> to vector<24x224x224xf32>
      %swap3A = arith.constant 0 : index
      %swap3A_115 = arith.constant 0 : index
      %swap3A_116 = arith.constant 0 : index
      %swap3A_117 = arith.constant 0 : index
      %swap3A_118 = vector.load %arg3[%swap3A, %swap3A_115, %swap3A_116, %swap3A_117] : memref<1x24x224x224xf32, #tpu.memory_space<vmem>>, vector<1x24x224x224xf32>
      %swap3A_119 = vector.shape_cast %swap3A_118 : vector<1x24x224x224xf32> to vector<24x224x224xf32>
      %swap3A_120 = vector.shape_cast %reshape3A_114 : vector<24x224x224xf32> to vector<1x24x224x224xf32>
      tpu.vector_store %arg3[%swap3A, %swap3A_115, %swap3A_116, %swap3A_117], %swap3A_120 {strides = array<i32>} : memref<1x24x224x224xf32, #tpu.memory_space<vmem>>, vector<1x24x224x224xf32>,
    } else {
    }
    return
  }
  func.func @transform_0(%arg0: i32, %arg1: i32) -> (i32, i32, i32, i32) {
    %add3A = arith.constant 1 : i32
    %add3A_0 = arith.addi %arg1, %add3A : i32
    %c0_i32 = arith.constant 0 : i32
    %c0_i32_1 = arith.constant 0 : i32
    %c0_i32_2 = arith.constant 0 : i32
    return %arg0, %add3A_0, %c0_i32, %c0_i32_1 : i32, i32, i32, i32
  }
  func.func @transform_1(%arg0: i32, %arg1: i32) -> (i32, i32, i32, i32) {
    %c0_i32 = arith.constant 0 : i32
    %c0_i32_0 = arith.constant 0 : i32
    %c0_i32_1 = arith.constant 0 : i32
    return %arg0, %arg1, %c0_i32, %c0_i32_0 : i32, i32, i32, i32
  }
}

</mosaic_0001>

<sc_bundles>
// kernel: kernel.4.cloned.1.call-start
scs
__scs_entry_jumppad:
0x0: {  	(pc) =	sbr.rel $0x88, $3  }
0x1: {  	(tag) =	ssettag $0x0;
	lr =	simm.s32 $0x1  }
0x2: {  	[smem:$0x3FA0] =	sst lr;
	_ =	strace $0xD0000000  }
0x3: {  	_ = 	snop  }
0x4: {  	_ = 	snop  }
0x5: {  	_ = 	snop  }
0x6: {  	_ = 	snop  }
0x7: {  	_ = 	snop  }
__scs_overlays_trampoline_lowered:
0x8: {  	[smem:$0x3FAF] =	sst s0  }
0x9: {  	[smem:$0x3FB0] =	sst s1  }
0xa: {  	[smem:$0x3FB1] =	sst s2  }
0xb: {  	[smem:$0x3FB2] =	sst s3  }
0xc: {  	[smem:$0x3FB3] =	sst s4  }
0xd: {  	[smem:$0x3FB4] =	sst s5  }
0xe: {  	[smem:$0x3FB5] =	sst s6  }
0xf: {  	[smem:$0x3FB6] =	sst s7  }
0x10: {  	[smem:$0x3FB7] =	sst s8  }
0x11: {  	[smem:$0x3FB8] =	sst s9;
	s0 =	simm.s32 @!p0 $0x0  }
0x12: {  	s1 =	sld [smem:$0x3F9E];
	s0 =	simm.s32 @p0 $0x1  }
0x13: {  	[smem:$0x3FB9] =	sst s0;
	s0 =	simm.s32 @!p1 $0x0  }
0x14: {  	s2 =	sld [smem:$0x3F9D];
	s0 =	simm.s32 @p1 $0x1  }
0x15: {  	[smem:$0x3FBA] =	sst s0;
	s0 =	simm.s32 @!p2 $0x0  }
0x16: {  	s3 =	sld [smem:$0x3FDB];
	s0 =	simm.s32 @p2 $0x1  }
0x17: {  	s4 =	simm.s32 $0x1BF5;
	[smem:$0x3FBC] =	sst s0  }
0x18: {  	s0 =	sld [smem:$0x3F9F];
	_ =	swait.ge [sflag:s4], $0x0  }
0x19: {  	s7 =	sld [smem:$0x3FA0]  }
0x1a: {  	s8 =	sadd.s32 $0xFFFFE003, lr  }
0x1b: {  	s9 =	sadd.s32 $0xFFFFFEF7, lr;
	s5 =	simm.s32 $0xFFFFFFFF;
	p2 =	slt.u32 s8, $0xFFFFF086  }
0x1c: {  	p1 =	slt.u32 s9, $0xF7A;
	s5 =	simm.s32 @!p2 $0x0  }
0x1d: {  	s5 =	simm.s32 @p1 $0x1;
	p0 =	seq.s32 s7, s2  }
0x1e: {  	s7 =	smul.u32 @!p0 $0xF7A, s2;
	p2 =	seq.s32 @!p0 s5, $0x0  }
0x1f: {  	s9 =	smul.u32 $0xF7A, s1;
	s8 =	simm.s32 @!p0 $0x1BF5;
	p2 =	por !p2, p0  }
0x20: {  	[sflag:s8] =	ssyncset.s32 @!p0 $0xFFFFF086;
	s6 =	sadd.s32 @!p0 s3, s7;
	s7 =	simm.s32 @!p0 $0x108  }
0x21: {  	s3 =	sadd.s32 s3, s9;
	s6 =	sadd.s32 @!p0 $0x88, s6;
	s7 =	simm.s32 @p2 $0x1082  }
0x22: {  	[simem:s7], [sflag:s8] =	dma.local @!p0 [hbm:s6], $0xF7A  }
0x23: {  	s9 =	sor.u32 $0xD0000000, s2;
	s6 =	simm.s32 $0x108;
	_ =	swait.ge @!p0 [sflag:s8], $0x0  }
0x24: {  	s3 =	sadd.s32 $0x88, s3;
	s6 =	simm.s32 @!p1 $0x1082;
	[sflag:s4] =	ssyncset.s32 $0xFFFFF086  }
0x25: {  	[simem:s6], [sflag:s4] =	dma.local [hbm:s3], $0xF7A  }
0x26: {  	[smem:$0x3FA0] =	sst s1;
	(tag) =	ssettag s2;
	_ =	strace s9  }
0x27: {  	s1 =	sld [smem:$0x3FB0]  }
0x28: {  	s2 =	sld [smem:$0x3FB1]  }
0x29: {  	s4 =	sld [smem:$0x3FB3]  }
0x2a: {  	p0 =	seq.s32 s5, $0x0;
	s5 =	sld [smem:$0x3FB4]  }
0x2b: {  	s6 =	sld [smem:$0x3FB5]  }
0x2c: {  	s7 =	sld [smem:$0x3FB6]  }
0x2d: {  	s3 =	simm.s32 $0x108;
	s8 =	sld [smem:$0x3FB7]  }
0x2e: {  	s3 =	simm.s32 @!p0 $0x1082;
	s9 =	sld [smem:$0x3FB8]  }
0x2f: {  	lr =	sadd.s32 s0, s3;
	s0 =	sld [smem:$0x3FAF]  }
0x30: {  	s3 =	sld [smem:$0x3FB2]  }
0x31: {  	[smem:$0x3FBB] =	sst s10  }
0x32: {  	s10 =	sld [smem:$0x3FB9];
	_ =	sdelay $0x3  }
0x33: {  	p0 =	seq.s32 s10, $0x1;
	s10 =	sld [smem:$0x3FBB];
	_ =	sdelay $0x3  }
0x34: {  	[smem:$0x3FBB] =	sst s10  }
0x35: {  	s10 =	sld [smem:$0x3FBA];
	_ =	sdelay $0x3  }
0x36: {  	p1 =	seq.s32 s10, $0x1;
	s10 =	sld [smem:$0x3FBB];
	_ =	sdelay $0x3  }
0x37: {  	[smem:$0x3FBB] =	sst s10  }
0x38: {  	s10 =	sld [smem:$0x3FBC]  }
0x39: {  	_ = 	snop;
	(pc) =	sbr.ind lr, $3  }
0x3a: {  	_ = 	snop  }
0x3b: {  	_ = 	snop  }
0x3c: {  	p2 =	seq.s32 s10, $0x1;
	s10 =	sld [smem:$0x3FBB]  }
0x3d: {  	_ =	shalt  }
0x3e: {  	_ =	shalt  }
0x3f: {  	_ =	shalt  }
0x40: {  	_ =	shalt  }
0x41: {  	_ =	shalt  }
0x42: {  	_ =	shalt  }
0x43: {  	_ =	shalt  }
0x44: {  	_ =	shalt  }
0x45: {  	_ =	shalt  }
0x46: {  	_ =	shalt  }
0x47: {  	_ =	shalt  }
0x48: {  	_ =	shalt  }
0x49: {  	_ =	shalt  }
0x4a: {  	_ =	shalt  }
0x4b: {  	_ =	shalt  }
0x4c: {  	_ =	shalt  }
0x4d: {  	_ =	shalt  }
0x4e: {  	_ =	shalt  }
0x4f: {  	_ =	shalt  }
0x50: {  	_ =	shalt  }
0x51: {  	_ =	shalt  }
0x52: {  	_ =	shalt  }
0x53: {  	_ =	shalt  }
0x54: {  	_ =	shalt  }
0x55: {  	_ =	shalt  }
0x56: {  	_ =	shalt  }
0x57: {  	_ =	shalt  }
0x58: {  	_ =	shalt  }
0x59: {  	_ =	shalt  }
0x5a: {  	_ =	shalt  }
0x5b: {  	_ =	shalt  }
0x5c: {  	_ =	shalt  }
0x5d: {  	_ =	shalt  }
0x5e: {  	_ =	shalt  }
0x5f: {  	_ =	shalt  }
0x60: {  	_ =	shalt  }
0x61: {  	_ =	shalt  }
0x62: {  	_ =	shalt  }
0x63: {  	_ =	shalt  }
0x64: {  	_ =	shalt  }
0x65: {  	_ =	shalt  }
0x66: {  	_ =	shalt  }
0x67: {  	_ =	shalt  }
0x68: {  	_ =	shalt  }
0x69: {  	_ =	shalt  }
0x6a: {  	_ =	shalt  }
0x6b: {  	_ =	shalt  }
0x6c: {  	_ =	shalt  }
0x6d: {  	_ =	shalt  }
0x6e: {  	_ =	shalt  }
0x6f: {  	_ =	shalt  }
0x70: {  	_ =	shalt  }
0x71: {  	_ =	shalt  }
0x72: {  	_ =	shalt  }
0x73: {  	_ =	shalt  }
0x74: {  	_ =	shalt  }
0x75: {  	_ =	shalt  }
0x76: {  	_ =	shalt  }
0x77: {  	_ =	shalt  }
0x78: {  	_ =	shalt  }
0x79: {  	_ =	shalt  }
0x7a: {  	_ =	shalt  }
0x7b: {  	_ =	shalt  }
0x7c: {  	_ =	shalt  }
0x7d: {  	_ =	shalt  }
0x7e: {  	_ =	shalt  }
0x7f: {  	_ =	shalt  }
0x80: {  	_ =	shalt  }
0x81: {  	_ =	shalt  }
0x82: {  	_ =	shalt  }
0x83: {  	_ =	shalt  }
0x84: {  	_ =	shalt  }
0x85: {  	_ =	shalt  }
0x86: {  	_ =	shalt  }
0x87: {  	_ =	shalt  }
.Lfunc_end0:
.L_simem_size_0:
called_computation_lowered:
.L_overlay_start_0:
0x88: {  	s2 =	sld [smem:$0x3FD9]  }
0x89: {  	s3 =	sld [smem:$0x3FFE];
	_ =	sdelay $0x1  }
0x8a: {  	s1 =	srdreg.scid  }
0x8b: {  	s0 =	sand.u32 $0x1, s1  }
0x8c: {  	s17 =	sshll.u32 s0, $0xA;
	s2 =	sadd.s32 s3, s2  }
0x8d: {  	s2 =	sadd.s32 s2, s17  }
0x8e: {  	[smem:$0x3FC7] =	sst s2  }
0x8f: {  	_ = 	snop  }
0x90: {  	s2 =	sld [smem:$0x3FD0];
	(tm) =	ssettm $0x1  }
0x91: {  	s18 =	sld [smem:$0x3FFB];
	_ =	sdelay $0x3  }
0x92: {  	_ =	strace s18  }
0x93: {  	s3 =	sld [smem:$0x3FFC];
	_ =	sdelay $0x3  }
0x94: {  	_ =	strace s3  }
0x95: {  	s3 =	sld [smem:$0x3FFD];
	_ =	sdelay $0x3  }
0x96: {  	_ =	strace s3  }
0x97: {  	_ =	strace $0x8FFFFFFF  }
0x98: {  	s19 =	sld [smem:$0x3FDB];
	_ =	sdelay $0x1  }
0x99: {  	s4 =	simm.s32 $_scs_section_size  }
0x9a: {  	s5 =	simm.s32 $_size__tile_overlayer_lowered;
	s6 =	simm.s32 $_tile_overlayer_lowered  }
0x9b: {  	s22 =	simm.s32 $0x1BFF;
	s21 =	sshll.u32 s6, $0x1;
	s3 =	sadd.s32 s4, s19  }
0x9c: {  	s7 =	simm.s32 $0x0;
	s20 =	sshll.u32 s5, $0x1;
	s5 =	sadd.s32 s21, s3  }
0x9d: {  	[timem:s7], [sflag:s22] =	dma.local [hbm:s5], s20  }
0x9e: {  	_ =	swait.ge [sflag:s22], s20  }
0x9f: {  	s4 =	ssub.s32 $0x0, s20;
	[sflag:s22] =	ssyncset.done $0x0  }
0xa0: {  	[sflag:s22] =	ssyncadd.s32 s4;
	_ =	sdelay $0x1  }
0xa1: {  	s23 =	simm.s32 $0x1B8B  }
0xa2: {  	_ =	swait.ge [sflag:s23], $0x1  }
0xa3: {  	[sflag:s23] =	ssyncset.done $0x0  }
0xa4: {  	s25 =	simm.s32 $0x1B8E;
	s24 =	sld [smem:$0x3FFE];
	[sflag:s23] =	ssyncadd.s32 $0xFFFFFFFF  }
0xa5: {  	s26 =	simm.s32 $execute0_lowered;
	[smem:$0x3FD2] =	sst s25  }
0xa6: {  	s5 =	sshll.u32 s26, $0x1;
	_ =	strace $0x80000046;
	[dreg:$0x1] =	wrdreg $0xFFFFFFFF  }
0xa7: {  	s28 =	simm.s32 $_size_execute0_lowered;
	s3 =	sadd.s32 s3, s5;
	[dreg:$0x0] =	wrdreg $0x0  }
0xa8: {  	s5 =	sshll.u32 s28, $0x1;
	[dreg:$0x2] =	wrdreg s3  }
0xa9: {  	[dreg:$0x3] =	wrdreg s5  }
0xaa: {  	[dreg:$0x4] =	wrdreg $0xC0  }
0xab: {  	_ =	task [dreg:s7], $0x5FFFF  }
0xac: {  	[dreg:$0x1] =	wrdreg $0xFFFFFFFF  }
0xad: {  	[dreg:$0x0] =	wrdreg $0x60  }
0xae: {  	[dreg:$0x2] =	wrdreg s2  }
0xaf: {  	[dreg:$0x3] =	wrdreg s24  }
0xb0: {  	[dreg:$0x4] =	wrdreg $0x9  }
0xb1: {  	_ =	task.clear_ibuf [dreg:s7], $0x5FFFF;
	_ =	strace $0x90000046  }
0xb2: {  	s29 =	simm.s32 $0x9;
	_ =	strace $0x80000048  }
0xb3: {  	_ =	swait.ge [sflag:s29], $0x1  }
0xb4: {  	[sflag:s29] =	ssyncadd.s32 $0xFFFFFFFF  }
0xb5: {  	_ =	strace $0x90000048  }
0xb6: {  	_ =	sfence  }
0xb7: {  	s30 =	sld [smem:$0x0];
	_ =	sdelay $0x2  }
0xb8: {  	s31 =	sshll.u32 s1, $0xD;
	s1 =	sshrl.u32 s1, $0x2  }
0xb9: {  	s3 =	sand.u32 $0x4000, s31;
	s1 =	sadd.s32 s1, s30  }
0xba: {  	s0 =	sor.u32 s3, s0;
	s1 =	sshll.u32 s1, $0x11  }
0xbb: {  	s0 =	sor.u32 s1, s0  }
0xbc: {  	s0 =	sadd.s32 $0x8F2B, s0  }
0xbd: {  	[sflag:s0] =	ssyncadd.remote.s32 $0x1  }
0xbe: {  	_ =	sfence.sel $0xFFFF  }
0xbf: {  	[dreg:$0x0] =	wrdreg $0xFFFFFFFF;
	(pc) =	sbr.abs _section_cstart, $3  }
0xc0: {  	[dreg:$0x1] =	wrdreg $0xFFFFFFFF  }
0xc1: {  	_ =	task.clear_ibuf [dreg:s7], $0x2FFFF;
	_ =	strace $0x9FFFFFFF  }
0xc2: {  	(tm) =	ssettm $0x7FFFFFFF  }
0xc3: {  	_ =	shalt  }
tec
execute0_lowered:
.L_overlay_start_1:
0x0: {  	(tag) =	ssettag $0x1  }
0x1: {  	s2 =	rddreg [dreg:$0x0]  }
0x2: {  	s1 =	srdreg.scid;
	s0 =	stileid.u32  }
0x3: {  	s4 =	rddreg [dreg:$0x1];
	s3 =	simm.s32 $0x0;
	s11 =	simm.s32 $0x0  }
0x4: {  	s5 =	sand.u32 $0x1, s1;
	s6 =	smul.u32 $0xC, s0;
	s1 =	rddreg [dreg:$0x2]  }
0x5: {  	s10 =	smul.u32 $0x600, s0;
	[smem:$0x7FF] =	sst s3;
	s7 =	ssub.s32 $0x2, s5  }
0x6: {  	s4 =	sadd.s32 $0x400, s4;
	s8 =	smul.u32 $0x6, s5;
	s9 =	sshrl.u32 s7, $0x1  }
0x7: {  	s31 =	smul.u32 $0x300, s5;
	_ =	strace $0x80000047;
	s7 =	ssub.s32 s7, s9  }
0x8: {  	s6 =	sadd.s32 s8, s6;
	s8 =	simm.s32 $0x80;
	s9 =	simm.s32 $0x400  }
0x9: {  	s5 =	smax.u32 s7, $0x1;
	s7 =	sadd.s32 s31, s10;
	s10 =	simm.s32 $0x1  }
.LBB2_1:
0xa: {  	s12 =	smulhi.u32 $0xAAAAAAAB, s6;
	_ =	sdelay $0x1  }
0xb: {  	s12 =	sshrl.u32 s12, $0x4  }
0xc: {  	s13 =	sadd.s32 $0x0, s6;
	s12 =	smul.u32 $0x18, s12  }
0xd: {  	s13 =	smulhi.u32 $0xAAAAAAAB, s13  }
0xe: {  	s12 =	ssub.s32 s6, s12  }
0xf: {  	s13 =	sshrl.u32 s13, $0x4;
	s12 =	sadd.s32 $0x0, s12  }
0x10: {  	s28 =	smul.u32 $0x498000, s13;
	s12 =	sshrl.u32 s12, $0x3  }
0x11: {  	s15 =	smul.u32 $0x62000, s12  }
0x12: {  	s13 =	smul.u32 $0x126000, s13;
	s12 =	sadd.s32 $0x1, s6  }
0x13: {  	s16 =	sand.u32 $0x380, s7;
	s17 =	smulhi.u32 $0xAAAAAAAB, s12;
	s14 =	sadd.s32 s28, s15  }
0x14: {  	s31 =	sadd.s32 $0x1, s6;
	s13 =	sadd.s32 s13, s15;
	s18 =	sor.u32 s16, s14  }
0x15: {  	s14 =	simm.s32 $0x2;
	s29 =	sshrl.u32 s17, $0x4;
	s18 =	sshrl.u32 s18, $0x3  }
0x16: {  	s13 =	sor.u32 s16, s13;
	s15 =	smul.u32 $0x18, s29;
	s30 =	sadd.s32 s2, s18  }
0x17: {  	[tilespmem:s3], [sflag:$0x1] =	stream.strided.gather [hbm4b:s30+s8], $0xC400, s9, s8, $0x38;
	[tilespmem:$0xC400] =	vst v63  }
0x18: {  	s16 =	smulhi.u32 $0xAAAAAAAB, s31;
	s15 =	ssub.s32 s6, s15;
	_ =	swait.ge [sflag:s10], $0xC400  }
0x19: {  	s13 =	sshrl.u32 s13, $0x3;
	s17 =	sadd.s32 $0x1, s15;
	[sflag:s10] =	ssyncset.done $0x0  }
0x1a: {  	s15 =	sadd.s32 s4, s13;
	s13 =	sadd.s32 $0x80, s7;
	[sflag:s10] =	ssyncadd.s32 $0xFFFF3C00  }
.LBB2_2:
0x1b: {  	s16 =	sshrl.u32 s16, $0x4  }
0x1c: {  	s17 =	sshrl.u32 s17, $0x3;
	s18 =	smov.u32 s14;
	s19 =	sadd.s32 $0x1, s14  }
0x1d: {  	[hbm4b:s15+s8] =	stream.strided.scatter [tilespmem:s3], [sflag:$0x1], $0xC400, s9, s8, $0x38;
	[tilespmem:$0xC400] =	vst v63  }
0x1e: {  	p0 =	sne.s32 s14, $0x5;
	s14 =	smul.u32 $0x62000, s17;
	_ =	swait.ge [sflag:s10], $0xC400  }
0x1f: {  	s15 =	smul.u32 $0x498000, s16;
	[sflag:s10] =	ssyncset.done $0x0  }
0x20: {  	s16 =	smul.u32 $0x126000, s16;
	[sflag:s10] =	ssyncadd.s32 $0xFFFF3C00  }
0x21: {  	s12 =	sadd.s32 $0x1, s12;
	s17 =	sand.u32 $0x380, s13;
	s15 =	sadd.s32 s15, s14  }
0x22: {  	s20 =	smulhi.u32 $0xAAAAAAAB, s12;
	s14 =	sadd.s32 s16, s14;
	s15 =	sor.u32 s17, s15  }
0x23: {  	s14 =	sor.u32 s17, s14;
	s15 =	sshrl.u32 s15, $0x3  }
0x24: {  	s16 =	sshrl.u32 s20, $0x4;
	s14 =	sshrl.u32 s14, $0x3;
	s15 =	sadd.s32 s2, s15  }
0x25: {  	[tilespmem:s3], [sflag:$0x1] =	stream.strided.gather [hbm4b:s15+s8], $0xC400, s9, s8, $0x38;
	[tilespmem:$0xC400] =	vst v63  }
.Ltmp0:
0x26: {  	_ = 	snop;
	(pc) =	sbr.rel @p0 .LBB2_2-.Ltmp0, $4  }
0x27: {  	s15 =	smul.u32 $0x18, s16;
	_ =	swait.ge [sflag:s10], $0xC400  }
0x28: {  	s13 =	sadd.s32 $0x80, s13;
	s16 =	sadd.s32 s18, s6;
	[sflag:s10] =	ssyncset.done $0x0  }
0x29: {  	s16 =	smulhi.u32 $0xAAAAAAAB, s16;
	s15 =	ssub.s32 s6, s15;
	[sflag:s10] =	ssyncadd.s32 $0xFFFF3C00  }
0x2a: {  	s17 =	sadd.s32 s15, s18;
	s15 =	sadd.s32 s4, s14;
	s14 =	smov.u32 s19  }
0x2b: {  	s12 =	sshrl.u32 s17, $0x3  }
0x2c: {  	s14 =	sshrl.u32 s16, $0x4;
	s12 =	smul.u32 $0x62000, s12  }
0x2d: {  	s16 =	smul.u32 $0x498000, s14  }
0x2e: {  	[hbm4b:s15+s8] =	stream.strided.scatter [tilespmem:s3], [sflag:$0x1], $0xC400, s9, s8, $0x38;
	[tilespmem:$0xC400] =	vst v63  }
0x2f: {  	s13 =	sand.u32 $0x380, s13;
	s30 =	sadd.s32 s16, s12  }
0x30: {  	_ =	swait.ge [sflag:s10], $0xC400;
	s14 =	smul.u32 $0x126000, s14;
	s15 =	sor.u32 s13, s30  }
0x31: {  	[sflag:s10] =	ssyncset.done $0x0;
	s15 =	sshrl.u32 s15, $0x3  }
0x32: {  	[sflag:s10] =	ssyncadd.s32 $0xFFFF3C00;
	s12 =	sadd.s32 s14, s12;
	s31 =	sadd.s32 s2, s15  }
0x33: {  	[tilespmem:s3], [sflag:$0x1] =	stream.strided.gather [hbm4b:s31+s8], $0xC400, s9, s8, $0x38;
	[tilespmem:$0xC400] =	vst v63  }
0x34: {  	s11 =	sadd.s32 $0x1, s11;
	s12 =	sor.u32 s13, s12;
	_ =	swait.ge [sflag:s10], $0xC400  }
0x35: {  	p0 =	sne.s32 s11, s5;
	s12 =	sshrl.u32 s12, $0x3;
	[sflag:s10] =	ssyncset.done $0x0  }
.Ltmp1:
0x36: {  	s12 =	sadd.s32 s4, s12;
	[sflag:s10] =	ssyncadd.s32 $0xFFFF3C00;
	(pc) =	sbr.rel @p0 .LBB2_1-.Ltmp1, $4  }
0x37: {  	[hbm4b:s12+s8] =	stream.strided.scatter [tilespmem:s3], [sflag:$0x1], $0xC400, s9, s8, $0x38;
	[tilespmem:$0xC400] =	vst v63  }
0x38: {  	_ =	swait.ge [sflag:s10], $0xC400  }
0x39: {  	[sflag:s10] =	ssyncset.done $0x0  }
0x3a: {  	[sflag:s10] =	ssyncadd.s32 $0xFFFF3C00  }
0x3b: {  	_ =	sfence.sel $0x180000  }
0x3c: {  	[bflag:$0x0] =	sbarrier.arrive $0xFFFF  }
0x3d: {  	p0 =	sne.s32 s0, $0x0;
	_ =	strace $0x90000047  }
0x3e: {  	s0 =	sadd.s32 @!p0 $0x100000, s1;
	[bflag:$0x2] =	sbarrier.arrive $0xFFFF  }
0x3f: {  	[sflag:s0] =	ssyncadd.tile.s32 @!p0 $0x1;
	_ =	shalt  }
.Lfunc_end2:
_tile_overlayer_lowered:
.L_overlay_start_2:
0x40: {  	(tag) =	ssettag $0x2  }
0x41: {  	s0 =	rddreg [dreg:$0x0];
	s2 =	stileid.u32  }
0x42: {  	s1 =	rddreg [dreg:$0x1];
	p0 =	sne.s32 s2, $0x0  }
0x43: {  	s3 =	rddreg [dreg:$0x2];
	[bflag:$0x3] =	sbarrier.arrive $0xFFFF;
	s2 =	simm.s32 @!p0 $0x1C01  }
0x44: {  	[timem:s3], [sflag:s2] =	dma.local @!p0 [hbm:s0], s1  }
0x45: {  	s0 =	simm.s32 @!p0 $0x1  }
0x46: {  	_ =	swait.ge @!p0 [sflag:s0], s1  }
0x47: {  	s1 =	ssub.s32 @!p0 $0x0, s1;
	[sflag:s0] =	ssyncset.done @!p0 $0x0  }
0x48: {  	[sflag:s0] =	ssyncadd.s32 @!p0 s1  }
0x49: {  	[bflag:$0x3] =	sbarrier.arrive $0xFFFF  }
0x4a: {  	_ =	shalt  }

</sc_bundles>
